<compile_context>
chip_gen: v7x
topology: tpu7x:2x2x1
jax: 0.10.2.dev20260603
libtpu: 0.0.44.dev20260713+nightly
codegen_flags: <defaults>
</compile_context>

<pallas_src>
import functools

import jax
import jax.numpy as jnp
from jax import lax
from jax.experimental import pallas as pl
from jax.experimental.pallas import tpu as pltpu
from jax.experimental.pallas import tpu_sc as plsc

LR, AT, DSBETA, EPS_DS = 0.02, 0.985, 0.1, 0.5


def _rowsum_t(m):
    ones = jnp.ones((1, m.shape[1]), dtype=m.dtype)
    return jax.lax.dot_general(ones, m, (((1,), (1,)), ((), ())),
                               preferred_element_type=jnp.float32,
                               precision=jax.lax.Precision.HIGHEST)


def _row_kernel(w_ref, rel_ref, hrow_ref):
    w = w_ref[...]
    d = w.shape[1]
    x2 = _rowsum_t(w * w)
    rs = _rowsum_t(rel_ref[...])
    hrow_ref[...] = x2 * (1.0 / d) + 1e-7 / rs


def _col_kernel(x_ref, xc_ref):
    x = x_ref[...]
    d = x.shape[1]
    xc_ref[...] = jnp.sum(x * x, axis=1, keepdims=True) * (1.0 / d)


def _bmu_kernel(x_ref, w_ref, hrow_ref, xc_ref, hmin_ref, aidx_ref):
    k = pl.program_id(1)
    nk = pl.num_programs(1)
    x = x_ref[...]
    w = w_ref[...]
    hrow = hrow_ref[...]
    xc = xc_ref[...]
    kt = w.shape[0]
    d = x.shape[1]
    dots = jax.lax.dot_general(
        x.astype(jnp.bfloat16), w.astype(jnp.bfloat16), (((1,), (1,)), ((), ())),
        preferred_element_type=jnp.float32)
    h = (xc + hrow) - dots * (2.0 / d)
    local_min = jnp.min(h, axis=1, keepdims=True)
    giota = (k * kt).astype(jnp.float32) + jax.lax.broadcasted_iota(
        jnp.int32, h.shape, 1).astype(jnp.float32)
    cand = jnp.where(h == local_min, giota, jnp.float32(1e9))
    local_idx = jnp.min(cand, axis=1, keepdims=True)

    @pl.when(k == 0)
    def _():
        hmin_ref[...] = local_min
        aidx_ref[...] = local_idx

    @pl.when(k > 0)
    def _():
        pm = hmin_ref[...]
        better = local_min < pm
        hmin_ref[...] = jnp.where(better, local_min, pm)
        aidx_ref[...] = jnp.where(better, local_idx, aidx_ref[...])

    @pl.when(k == nk - 1)
    def _():
        hmin_ref[...] = 1.0 / (1.0 + hmin_ref[...])


def _seg_kernel(idx_ref, high_ref, x_ref, sc_ref):
    b = pl.program_id(1)
    kk = pl.program_id(0)
    idxf = idx_ref[...]
    hi = high_ref[...]
    x = x_ref[...]
    bt = x.shape[0]
    d = x.shape[1]
    kt = sc_ref.shape[0]
    kvals = (kk * kt).astype(jnp.float32) + jax.lax.broadcasted_iota(
        jnp.int32, (1, kt), 1).astype(jnp.float32)
    e = jnp.where(idxf == kvals, 1.0, 0.0) * hi
    xp = jnp.concatenate(
        [x, jnp.ones((bt, 1), jnp.float32),
         jnp.zeros((bt, sc_ref.shape[1] - d - 1), jnp.float32)], axis=1)
    s_upd = jax.lax.dot_general(
        e, xp, (((0,), (0,)), ((), ())),
        preferred_element_type=jnp.float32)

    @pl.when(b == 0)
    def _():
        sc_ref[...] = s_upd

    @pl.when(b > 0)
    def _():
        sc_ref[...] += s_upd


def _compact_kernel(sc_ref, uniq_ref, carry_ref):
    i = pl.program_id(0)
    d = 64
    cntv = sc_ref[:, d:d + 1]
    kt = cntv.shape[0]
    wf = jnp.where(cntv > 0, 1.0, 0.0)

    @pl.when(i == 0)
    def _():
        carry_ref[0] = 0
        uniq_ref[...] = jnp.zeros_like(uniq_ref)

    row = jax.lax.broadcasted_iota(jnp.int32, (kt, kt), 0)
    col = jax.lax.broadcasted_iota(jnp.int32, (kt, kt), 1)
    tri = jnp.where(col < row, 1.0, 0.0)
    excl = jax.lax.dot_general(
        tri, wf, (((1,), (0,)), ((), ())),
        preferred_element_type=jnp.float32,
        precision=jax.lax.Precision.HIGHEST)
    pos = jax.lax.broadcasted_iota(jnp.int32, (1, kt), 1).astype(jnp.float32)
    m = jnp.where((excl == pos) & (cntv > 0), 1.0, 0.0)
    kg = (i * kt).astype(jnp.float32) + jax.lax.broadcasted_iota(
        jnp.int32, (kt, 1), 0).astype(jnp.float32)
    vals = jax.lax.dot_general(
        m, kg, (((0,), (0,)), ((), ())),
        preferred_element_type=jnp.float32,
        precision=jax.lax.Precision.HIGHEST)
    base = carry_ref[0]
    uniq_ref[pl.ds(base, kt), :] = vals.astype(jnp.int32)
    carry_ref[0] = base + jnp.sum(wf).astype(jnp.int32)


def _update_kernel(smsel_ref, wmsel_ref, upd_ref, wn_ref, rn_ref):
    d = upd_ref.shape[1]
    sm = smsel_ref[...]
    wm = wmsel_ref[...]
    ssel = sm[:, 0:d]
    csel = sm[:, d:d + 1]
    wsel = wm[:, 0:d]
    masel = wm[:, d:2 * d]
    upd = ssel / csel
    dist = jnp.abs(upd - wsel)
    ma = (LR * DSBETA) * dist + (1.0 - LR * DSBETA) * masel
    mx = jnp.max(ma, axis=1, keepdims=True)
    mn = jnp.min(ma, axis=1, keepdims=True)
    avg = jnp.mean(ma, axis=1, keepdims=True)
    rel = 1.0 / (1.0 + jnp.exp((ma - avg) / (EPS_DS * (mx - mn))))
    rel = jnp.where(jnp.isnan(rel), 1.0, rel)
    upd_ref[...] = upd
    wn_ref[...] = wsel + LR * (upd - wsel)
    rn_ref[...] = rel


def _sc_gather(u, w128, bpw):
    mesh = plsc.VectorSubcoreMesh(core_axis_name="c", subcore_axis_name="s")
    f32 = jnp.float32

    @functools.partial(
        pl.kernel, mesh=mesh,
        out_type=[
            jax.ShapeDtypeStruct((u, w128), f32),
            jax.ShapeDtypeStruct((u, w128), f32),
        ],
        scratch_types=[
            pltpu.VMEM((bpw,), jnp.int32),
            pltpu.VMEM((bpw, w128), f32),
            pltpu.SemaphoreType.DMA,
        ],
    )
    def gk(uniq_hbm, wm_hbm, sm_hbm, wmsel_hbm, smsel_hbm, idx_v, rows_v, sem):
        wid = lax.axis_index("s") * 2 + lax.axis_index("c")
        base = wid * bpw
        pltpu.sync_copy(uniq_hbm.at[pl.ds(base, bpw)], idx_v)
        pltpu.async_copy(wm_hbm.at[idx_v], rows_v, sem).wait()
        pltpu.sync_copy(rows_v, wmsel_hbm.at[pl.ds(base, bpw)])
        pltpu.async_copy(sm_hbm.at[idx_v], rows_v, sem).wait()
        pltpu.sync_copy(rows_v, smsel_hbm.at[pl.ds(base, bpw)])

    return gk


def kernel(input, weights, node_control, moving_avg, relevance):
    x = input
    b, d = x.shape
    kn = weights.shape[0]
    u = b // 2
    f32 = jnp.float32
    wm = jnp.concatenate([weights, moving_avg], axis=1)

    bt, kt = 4096, 1024
    nb, nk = b // bt, kn // kt
    hrow = pl.pallas_call(
        _row_kernel,
        grid=(nk,),
        in_specs=[
            pl.BlockSpec((kt, d), lambda k: (k, 0)),
            pl.BlockSpec((kt, d), lambda k: (k, 0)),
        ],
        out_specs=pl.BlockSpec((1, kt), lambda k: (0, k)),
        out_shape=jax.ShapeDtypeStruct((1, kn), f32),
    )(weights, relevance)
    xc = pl.pallas_call(
        _col_kernel,
        grid=(nb,),
        in_specs=[pl.BlockSpec((bt, d), lambda i: (i, 0))],
        out_specs=pl.BlockSpec((bt, 1), lambda i: (i, 0)),
        out_shape=jax.ShapeDtypeStruct((b, 1), f32),
    )(x)
    amax, aidxf = pl.pallas_call(
        _bmu_kernel,
        grid=(nb, nk),
        in_specs=[
            pl.BlockSpec((bt, d), lambda i, k: (i, 0)),
            pl.BlockSpec((kt, d), lambda i, k: (k, 0)),
            pl.BlockSpec((1, kt), lambda i, k: (0, k)),
            pl.BlockSpec((bt, 1), lambda i, k: (i, 0)),
        ],
        out_specs=[
            pl.BlockSpec((bt, 1), lambda i, k: (i, 0)),
            pl.BlockSpec((bt, 1), lambda i, k: (i, 0)),
        ],
        out_shape=[
            jax.ShapeDtypeStruct((b, 1), f32),
            jax.ShapeDtypeStruct((b, 1), f32),
        ],
    )(x, weights, hrow, xc)

    high = (amax >= AT).astype(f32)

    bt2, kt2 = 4096, 1024
    sm = pl.pallas_call(
        _seg_kernel,
        grid=(kn // kt2, b // bt2),
        in_specs=[
            pl.BlockSpec((bt2, 1), lambda kk, bb: (bb, 0)),
            pl.BlockSpec((bt2, 1), lambda kk, bb: (bb, 0)),
            pl.BlockSpec((bt2, d), lambda kk, bb: (bb, 0)),
        ],
        out_specs=pl.BlockSpec((kt2, 2 * d), lambda kk, bb: (kk, 0)),
        out_shape=jax.ShapeDtypeStruct((kn, 2 * d), f32),
    )(aidxf, high, x)

    kt3 = 512
    upad = u + kt3
    uniq = pl.pallas_call(
        _compact_kernel,
        grid=(kn // kt3,),
        in_specs=[pl.BlockSpec((kt3, 2 * d), lambda i: (i, 0))],
        out_specs=pl.BlockSpec((upad, 1), lambda i: (0, 0)),
        out_shape=jax.ShapeDtypeStruct((upad, 1), jnp.int32),
        scratch_shapes=[pltpu.SMEM((1,), jnp.int32)],
    )(sm)

    bpw = u // 32
    uniq1 = uniq[:u].reshape(u)
    wmsel, smsel = _sc_gather(u, 2 * d, bpw)(uniq1, wm, sm)

    ut = 512
    nu = u // ut
    upd, wn, rn = pl.pallas_call(
        _update_kernel,
        grid=(nu,),
        in_specs=[
            pl.BlockSpec((ut, 2 * d), lambda i: (i, 0)),
            pl.BlockSpec((ut, 2 * d), lambda i: (i, 0)),
        ],
        out_specs=[
            pl.BlockSpec((ut, d), lambda i: (i, 0)),
            pl.BlockSpec((ut, d), lambda i: (i, 0)),
            pl.BlockSpec((ut, d), lambda i: (i, 0)),
        ],
        out_shape=[
            jax.ShapeDtypeStruct((u, d), f32),
            jax.ShapeDtypeStruct((u, d), f32),
            jax.ShapeDtypeStruct((u, d), f32),
        ],
    )(smsel, wmsel)

    return upd, wn, rn

# --- scband reference (transcript-rebuilt; emitter-appended) ---
"""Pipeline reference for scband-som-79602923864105 (READ-ONLY COPY).

The authoritative reference and input builder live on the scoring server;
editing this copy changes nothing except your own understanding.
"""

import jax, jax.numpy as jnp
import numpy as np

B, D, K = 8192, 64, 8192
LR, AT, DSBETA, EPS_DS = 0.02, 0.985, 0.1, 0.5


def setup_inputs(seed: int = 0):
    key = jax.random.key(seed)
    k1, k2, k3 = jax.random.split(key, 3)
    x = jax.random.normal(k1, (B, D), dtype=jnp.float32)
    # SOM state: seed half the codebook with near-copies of the first B//2 samples so the
    # high-activation (BMU update) path is exercised; remaining nodes are random (never win
    # above threshold). node_control all ones -> add_node branch is a no-op, as in torch.
    seeded = x[:B // 2] + 0.001 * jax.random.normal(k3, (B // 2, D), dtype=jnp.float32)
    noise_nodes = jax.random.normal(k2, (K - B // 2, D), dtype=jnp.float32)
    weights = jnp.concatenate([seeded, noise_nodes], axis=0)
    node_control = jnp.ones((K,), dtype=jnp.float32)
    moving_avg = jnp.zeros((K, D), dtype=jnp.float32)
    relevance = jnp.ones((K, D), dtype=jnp.float32)
    return {"input": x, "weights": weights, "node_control": node_control,
            "moving_avg": moving_avg, "relevance": relevance}


def reference(input, weights, node_control, moving_avg, relevance):
    x = input
    input_size = x.shape[1]
    # pairwise squared distance ||x - w||^2
    x1_norm = jnp.sum(x ** 2, axis=1)[:, None]
    x2_norm = jnp.sum(weights ** 2, axis=1)[None, :]
    dists = x1_norm + x2_norm - 2.0 * (x @ weights.T)
    # weighted distance + activation
    rel_sum = jnp.sum(relevance, axis=1)                       # [K]
    dist_weight = dists * (rel_sum[None, :] / input_size)
    dist_weight = jnp.where(jnp.isnan(dist_weight), 0.0, dist_weight)
    activations = rel_sum[None, :] / (rel_sum[None, :] + dist_weight + 1e-07)
    activations = activations * node_control[None, :]
    act_max = jnp.max(activations, axis=1)
    idx_max = jnp.argmax(activations, axis=1)
    # high-activation branch (BMU weight/relevance update)
    high = act_max >= AT
    num_nodes = weights.shape[0]
    n_winners = x.shape[0] // 2
    nodes_masked = jnp.where(high, idx_max, num_nodes)         # sentinel for non-high
    cnt_per_node = jnp.zeros((num_nodes,), dtype=jnp.float32).at[idx_max].add(
        high.astype(jnp.float32))
    node_control = jnp.where(cnt_per_node > 0, 1.0, node_control)
    # unique_node_diff_vectorized: average the samples assigned to each unique winner
    unique_nodes = jnp.nonzero(cnt_per_node > 0, size=n_winners, fill_value=0)[0]
    eq = (nodes_masked[None, :] == unique_nodes[:, None])      # [U, B]
    counts = jnp.sum(eq, axis=1)
    upd = x.T @ eq.T.astype(jnp.float32)                       # [D, U]
    upd = (upd / counts.astype(jnp.float32)).T                 # [U, D]
    # update_node
    w_sel = weights[unique_nodes]
    distance = jnp.abs(upd - w_sel)
    ma = LR * DSBETA * distance + (1.0 - LR * DSBETA) * moving_avg[unique_nodes]
    mx = jnp.max(ma, axis=1, keepdims=True)
    mn = jnp.min(ma, axis=1, keepdims=True)
    avg = jnp.mean(ma, axis=1, keepdims=True)
    rel_new = 1.0 / (1.0 + jnp.exp((ma - avg) / (EPS_DS * (mx - mn))))
    rel_new = jnp.where(jnp.isnan(rel_new), 1.0, rel_new)
    w_new = w_sel + LR * (upd - w_sel)
    # in torch these are written in place then re-read for the return value
    weights = weights.at[unique_nodes].set(w_new)
    relevance = relevance.at[unique_nodes].set(rel_new)
    # low-activation branch: node_control is all ones -> no free nodes -> add_node skipped
    return (upd, weights[unique_nodes], relevance[unique_nodes])

if __name__ == "__main__":
    import jax
    _d = setup_inputs()
    print(jax.jit(kernel)(*tuple(_d.values())))

</pallas_src>

<mosaic_0001>
#map = affine_map<(d0, d1) -> (0)>
#map1 = affine_map<(d0, d1) -> (0, 0)>
module attributes {stable_mosaic.version = 14 : i64} {
  func.func @gk(%arg0: i32, %arg1: i32, %arg2: memref<4096xi32, #tpu.memory_space<hbm>>, %arg3: memref<8192x128xf32, #tpu.memory_space<hbm>>, %arg4: memref<8192x128xf32, #tpu.memory_space<hbm>>, %arg5: memref<4096x128xf32, #tpu.memory_space<hbm>>, %arg6: memref<4096x128xf32, #tpu.memory_space<hbm>>, %arg7: memref<128xi32, #tpu.memory_space<vmem>>, %arg8: memref<128x128xf32, #tpu.memory_space<vmem>>, %arg9: memref<!tpu.dma_semaphore, #tpu.memory_space<semaphore_mem>>) attributes {dimension_semantics = [#tpu.dimension_semantics<core_parallel>, #tpu.dimension_semantics<subcore_parallel>], iteration_bounds = array<i64: 2, 16>, scalar_prefetch = 0 : i64, scratch_operands = 3 : i64, tpu.core_type = #tpu.core_type<sc_vector_subcore>, window_params = [{transform_indices = #map}, {transform_indices = #map1}, {transform_indices = #map1}, {transform_indices = #map1}, {transform_indices = #map1}]} {
    %mul3A = arith.constant 2 : i32
    %mul3A_0 = arith.muli %arg1, %mul3A : i32
    %add3A = arith.addi %mul3A_0, %arg0 : i32
    %mul3A_1 = arith.constant 128 : i32
    %mul3A_2 = arith.muli %add3A, %mul3A_1 : i32
    "tpu.region"() ({
      %run_scoped3A = tpu.sem_alloc : memref<!tpu.dma_semaphore, #tpu.memory_space<semaphore_mem>>
      %dma_start3A_13 = tpu.memref_slice %arg2[%mul3A_2] : memref<4096xi32, #tpu.memory_space<hbm>> -> memref<128xi32, #tpu.memory_space<hbm>>
      %dma_start3A_14 = tpu.memref_slice %arg2[%mul3A_2] : memref<4096xi32, #tpu.memory_space<hbm>> -> memref<128xi32, #tpu.memory_space<hbm>>
      tpu.enqueue_dma source(%dma_start3A_14 : memref<128xi32, #tpu.memory_space<hbm>>) target(%arg7 : memref<128xi32, #tpu.memory_space<vmem>>) target_semaphore(%run_scoped3A : memref<!tpu.dma_semaphore, #tpu.memory_space<semaphore_mem>>)
      %dma_wait3A_15 = tpu.memref_slice %arg2[%mul3A_2] : memref<4096xi32, #tpu.memory_space<hbm>> -> memref<128xi32, #tpu.memory_space<hbm>>
      %dma_wait3A_16 = tpu.memref_slice %arg2[%mul3A_2] : memref<4096xi32, #tpu.memory_space<hbm>> -> memref<128xi32, #tpu.memory_space<hbm>>
      tpu.wait_dma2 semaphore(%run_scoped3A : memref<!tpu.dma_semaphore, #tpu.memory_space<semaphore_mem>>) src(%dma_wait3A_16 : memref<128xi32, #tpu.memory_space<hbm>>) dst(%arg7 : memref<128xi32, #tpu.memory_space<vmem>>)
      tpu.yield
    }) : () -> ()
    %dma_start3A = arith.constant 0 : i32
    %dma_start3A_3 = arith.constant 0 : i32
    %dma_start3A_4 = tpu.memref_slice %arg3[%dma_start3A, %dma_start3A_3] : memref<8192x128xf32, #tpu.memory_space<hbm>> -> memref<8192x128xf32, #tpu.memory_space<hbm>>
    tpu.enqueue_indirect_dma source(%dma_start3A_4 : memref<8192x128xf32, #tpu.memory_space<hbm>>) target(%arg8 : memref<128x128xf32, #tpu.memory_space<vmem>>) offsets(%arg7 : memref<128xi32, #tpu.memory_space<vmem>>) semaphore(%arg9 : memref<!tpu.dma_semaphore, #tpu.memory_space<semaphore_mem>>)
    %dma_wait3A = arith.constant 0 : i32
    %dma_wait3A_5 = arith.constant 0 : i32
    %dma_wait3A_6 = tpu.memref_slice %arg3[%dma_wait3A, %dma_wait3A_5] : memref<8192x128xf32, #tpu.memory_space<hbm>> -> memref<8192x128xf32, #tpu.memory_space<hbm>>
    tpu.wait_indirect_dma semaphore(%arg9 : memref<!tpu.dma_semaphore, #tpu.memory_space<semaphore_mem>>) src(%dma_wait3A_6 : memref<8192x128xf32, #tpu.memory_space<hbm>>) dst(%arg8 : memref<128x128xf32, #tpu.memory_space<vmem>>)
    "tpu.region"() ({
      %run_scoped3A = tpu.sem_alloc : memref<!tpu.dma_semaphore, #tpu.memory_space<semaphore_mem>>
      %dma_start3A_13 = arith.constant 0 : i32
      %dma_start3A_14 = tpu.memref_slice %arg5[%mul3A_2, %dma_start3A_13] : memref<4096x128xf32, #tpu.memory_space<hbm>> -> memref<128x128xf32, #tpu.memory_space<hbm>>
      %dma_start3A_15 = arith.constant 0 : i32
      %dma_start3A_16 = tpu.memref_slice %arg5[%mul3A_2, %dma_start3A_15] : memref<4096x128xf32, #tpu.memory_space<hbm>> -> memref<128x128xf32, #tpu.memory_space<hbm>>
      tpu.enqueue_dma source(%arg8 : memref<128x128xf32, #tpu.memory_space<vmem>>) target(%dma_start3A_16 : memref<128x128xf32, #tpu.memory_space<hbm>>) target_semaphore(%run_scoped3A : memref<!tpu.dma_semaphore, #tpu.memory_space<semaphore_mem>>)
      %dma_wait3A_17 = arith.constant 0 : i32
      %dma_wait3A_18 = tpu.memref_slice %arg5[%mul3A_2, %dma_wait3A_17] : memref<4096x128xf32, #tpu.memory_space<hbm>> -> memref<128x128xf32, #tpu.memory_space<hbm>>
      %dma_wait3A_19 = arith.constant 0 : i32
      %dma_wait3A_20 = tpu.memref_slice %arg5[%mul3A_2, %dma_wait3A_19] : memref<4096x128xf32, #tpu.memory_space<hbm>> -> memref<128x128xf32, #tpu.memory_space<hbm>>
      tpu.wait_dma2 semaphore(%run_scoped3A : memref<!tpu.dma_semaphore, #tpu.memory_space<semaphore_mem>>) src(%arg8 : memref<128x128xf32, #tpu.memory_space<vmem>>) dst(%dma_wait3A_20 : memref<128x128xf32, #tpu.memory_space<hbm>>)
      tpu.yield
    }) : () -> ()
    %dma_start3A_7 = arith.constant 0 : i32
    %dma_start3A_8 = arith.constant 0 : i32
    %dma_start3A_9 = tpu.memref_slice %arg4[%dma_start3A_7, %dma_start3A_8] : memref<8192x128xf32, #tpu.memory_space<hbm>> -> memref<8192x128xf32, #tpu.memory_space<hbm>>
    tpu.enqueue_indirect_dma source(%dma_start3A_9 : memref<8192x128xf32, #tpu.memory_space<hbm>>) target(%arg8 : memref<128x128xf32, #tpu.memory_space<vmem>>) offsets(%arg7 : memref<128xi32, #tpu.memory_space<vmem>>) semaphore(%arg9 : memref<!tpu.dma_semaphore, #tpu.memory_space<semaphore_mem>>)
    %dma_wait3A_10 = arith.constant 0 : i32
    %dma_wait3A_11 = arith.constant 0 : i32
    %dma_wait3A_12 = tpu.memref_slice %arg4[%dma_wait3A_10, %dma_wait3A_11] : memref<8192x128xf32, #tpu.memory_space<hbm>> -> memref<8192x128xf32, #tpu.memory_space<hbm>>
    tpu.wait_indirect_dma semaphore(%arg9 : memref<!tpu.dma_semaphore, #tpu.memory_space<semaphore_mem>>) src(%dma_wait3A_12 : memref<8192x128xf32, #tpu.memory_space<hbm>>) dst(%arg8 : memref<128x128xf32, #tpu.memory_space<vmem>>)
    "tpu.region"() ({
      %run_scoped3A = tpu.sem_alloc : memref<!tpu.dma_semaphore, #tpu.memory_space<semaphore_mem>>
      %dma_start3A_13 = arith.constant 0 : i32
      %dma_start3A_14 = tpu.memref_slice %arg6[%mul3A_2, %dma_start3A_13] : memref<4096x128xf32, #tpu.memory_space<hbm>> -> memref<128x128xf32, #tpu.memory_space<hbm>>
      %dma_start3A_15 = arith.constant 0 : i32
      %dma_start3A_16 = tpu.memref_slice %arg6[%mul3A_2, %dma_start3A_15] : memref<4096x128xf32, #tpu.memory_space<hbm>> -> memref<128x128xf32, #tpu.memory_space<hbm>>
      tpu.enqueue_dma source(%arg8 : memref<128x128xf32, #tpu.memory_space<vmem>>) target(%dma_start3A_16 : memref<128x128xf32, #tpu.memory_space<hbm>>) target_semaphore(%run_scoped3A : memref<!tpu.dma_semaphore, #tpu.memory_space<semaphore_mem>>)
      %dma_wait3A_17 = arith.constant 0 : i32
      %dma_wait3A_18 = tpu.memref_slice %arg6[%mul3A_2, %dma_wait3A_17] : memref<4096x128xf32, #tpu.memory_space<hbm>> -> memref<128x128xf32, #tpu.memory_space<hbm>>
      %dma_wait3A_19 = arith.constant 0 : i32
      %dma_wait3A_20 = tpu.memref_slice %arg6[%mul3A_2, %dma_wait3A_19] : memref<4096x128xf32, #tpu.memory_space<hbm>> -> memref<128x128xf32, #tpu.memory_space<hbm>>
      tpu.wait_dma2 semaphore(%run_scoped3A : memref<!tpu.dma_semaphore, #tpu.memory_space<semaphore_mem>>) src(%arg8 : memref<128x128xf32, #tpu.memory_space<vmem>>) dst(%dma_wait3A_20 : memref<128x128xf32, #tpu.memory_space<hbm>>)
      tpu.yield
    }) : () -> ()
    return
  }
}

module attributes {stable_mosaic.version = 14 : i64} {
  func.func @_col_kernel(%arg0: i32, %arg1: memref<4096x64xf32, #tpu.memory_space<vmem>>, %arg2: memref<4096x1xf32, #tpu.memory_space<vmem>>) attributes {dimension_semantics = [#tpu.dimension_semantics<arbitrary>], iteration_bounds = array<i64: 2>, scalar_prefetch = 0 : i64, scratch_operands = 0 : i64, tpu.core_type = #tpu.core_type<tc>, window_params = [{transform_indices = @transform_0, window_bounds = array<i64: 4096, 64>}, {transform_indices = @transform_1, window_bounds = array<i64: 4096, 1>}]} {
    %get3A = arith.constant 0 : index
    %get3A_0 = arith.constant 0 : index
    %get3A_1 = vector.load %arg1[%get3A, %get3A_0] : memref<4096x64xf32, #tpu.memory_space<vmem>>, vector<4096x64xf32>
    %mul3A = arith.mulf %get3A_1, %get3A_1 : vector<4096x64xf32>
    %reduce_sum3A = arith.constant dense<0.000000e+00> : vector<4096xf32>
    %reduce_sum3A_2 = vector.multi_reduction <add>, %mul3A, %reduce_sum3A [1] : vector<4096x64xf32> to vector<4096xf32>
    %broadcast_in_dim3A = vector.shape_cast %reduce_sum3A_2 : vector<4096xf32> to vector<4096x1xf32>
    %mul3A_3 = arith.constant 1.562500e-02 : f32
    %mul3A_4 = vector.broadcast %mul3A_3 : f32 to vector<4096x1xf32>
    %mul3A_5 = arith.mulf %broadcast_in_dim3A, %mul3A_4 : vector<4096x1xf32>
    %swap3A = arith.constant 0 : index
    %swap3A_6 = arith.constant 0 : index
    %swap3A_7 = vector.load %arg2[%swap3A, %swap3A_6] : memref<4096x1xf32, #tpu.memory_space<vmem>>, vector<4096x1xf32>
    tpu.vector_store %arg2[%swap3A, %swap3A_6], %mul3A_5 {strides = array<i32>} : memref<4096x1xf32, #tpu.memory_space<vmem>>, vector<4096x1xf32>,
    return
  }
  func.func @transform_0(%arg0: i32) -> (i32, i32) {
    %c0_i32 = arith.constant 0 : i32
    %c0_i32_0 = arith.constant 0 : i32
    return %arg0, %c0_i32 : i32, i32
  }
  func.func @transform_1(%arg0: i32) -> (i32, i32) {
    %c0_i32 = arith.constant 0 : i32
    %c0_i32_0 = arith.constant 0 : i32
    return %arg0, %c0_i32 : i32, i32
  }
}

module attributes {stable_mosaic.version = 14 : i64} {
  func.func @_row_kernel(%arg0: i32, %arg1: memref<1024x64xf32, #tpu.memory_space<vmem>>, %arg2: memref<1024x64xf32, #tpu.memory_space<vmem>>, %arg3: memref<1x1024xf32, #tpu.memory_space<vmem>>) attributes {dimension_semantics = [#tpu.dimension_semantics<arbitrary>], iteration_bounds = array<i64: 8>, scalar_prefetch = 0 : i64, scratch_operands = 0 : i64, tpu.core_type = #tpu.core_type<tc>, window_params = [{transform_indices = @transform_0, window_bounds = array<i64: 1024, 64>}, {transform_indices = @transform_1, window_bounds = array<i64: 1024, 64>}, {transform_indices = @transform_2, window_bounds = array<i64: 1, 1024>}]} {
    %get3A = arith.constant 0 : index
    %get3A_0 = arith.constant 0 : index
    %get3A_1 = vector.load %arg1[%get3A, %get3A_0] : memref<1024x64xf32, #tpu.memory_space<vmem>>, vector<1024x64xf32>
    %mul3A = arith.mulf %get3A_1, %get3A_1 : vector<1024x64xf32>
    %broadcast_in_dim3A = arith.constant 1.000000e+00 : f32
    %broadcast_in_dim3A_2 = vector.broadcast %broadcast_in_dim3A : f32 to vector<1x64xf32>
    %dot_general3A = arith.constant dense<0.000000e+00> : vector<1x1024xf32>
    %dot_general3A_3 = tpu.matmul %broadcast_in_dim3A_2, %mul3A, %dot_general3A {dimension_numbers = #tpu.dot_dimension_numbers<[1], [1], [0], [0], [0, 0, 1, 0], [], []>, precision = #tpu.contract_precision<fp32>, transpose_lhs_hint = false} : vector<1x64xf32>, vector<1024x64xf32>, vector<1x1024xf32> -> vector<1x1024xf32>
    %get3A_4 = arith.constant 0 : index
    %get3A_5 = arith.constant 0 : index
    %get3A_6 = vector.load %arg2[%get3A_4, %get3A_5] : memref<1024x64xf32, #tpu.memory_space<vmem>>, vector<1024x64xf32>
    %broadcast_in_dim3A_7 = arith.constant 1.000000e+00 : f32
    %broadcast_in_dim3A_8 = vector.broadcast %broadcast_in_dim3A_7 : f32 to vector<1x64xf32>
    %dot_general3A_9 = arith.constant dense<0.000000e+00> : vector<1x1024xf32>
    %dot_general3A_10 = tpu.matmul %broadcast_in_dim3A_8, %get3A_6, %dot_general3A_9 {dimension_numbers = #tpu.dot_dimension_numbers<[1], [1], [0], [0], [0, 0, 1, 0], [], []>, precision = #tpu.contract_precision<fp32>, transpose_lhs_hint = false} : vector<1x64xf32>, vector<1024x64xf32>, vector<1x1024xf32> -> vector<1x1024xf32>
    %mul3A_11 = arith.constant 1.562500e-02 : f32
    %mul3A_12 = vector.broadcast %mul3A_11 : f32 to vector<1x1024xf32>
    %mul3A_13 = arith.mulf %dot_general3A_3, %mul3A_12 : vector<1x1024xf32>
    %div3A = arith.constant 1.000000e-07 : f32
    %div3A_14 = vector.broadcast %div3A : f32 to vector<1x1024xf32>
    %div3A_15 = arith.divf %div3A_14, %dot_general3A_10 : vector<1x1024xf32>
    %add3A = arith.addf %mul3A_13, %div3A_15 : vector<1x1024xf32>
    %swap3A = arith.constant 0 : index
    %swap3A_16 = arith.constant 0 : index
    %swap3A_17 = vector.load %arg3[%swap3A, %swap3A_16] : memref<1x1024xf32, #tpu.memory_space<vmem>>, vector<1x1024xf32>
    tpu.vector_store %arg3[%swap3A, %swap3A_16], %add3A {strides = array<i32>} : memref<1x1024xf32, #tpu.memory_space<vmem>>, vector<1x1024xf32>,
    return
  }
  func.func @transform_0(%arg0: i32) -> (i32, i32) {
    %c0_i32 = arith.constant 0 : i32
    %c0_i32_0 = arith.constant 0 : i32
    return %arg0, %c0_i32 : i32, i32
  }
  func.func @transform_1(%arg0: i32) -> (i32, i32) {
    %c0_i32 = arith.constant 0 : i32
    %c0_i32_0 = arith.constant 0 : i32
    return %arg0, %c0_i32 : i32, i32
  }
  func.func @transform_2(%arg0: i32) -> (i32, i32) {
    %c0_i32 = arith.constant 0 : i32
    %c0_i32_0 = arith.constant 0 : i32
    return %c0_i32, %arg0 : i32, i32
  }
}

module attributes {stable_mosaic.version = 14 : i64} {
  func.func @_bmu_kernel(%arg0: i32, %arg1: i32, %arg2: memref<4096x64xf32, #tpu.memory_space<vmem>>, %arg3: memref<1024x64xf32, #tpu.memory_space<vmem>>, %arg4: memref<1x1024xf32, #tpu.memory_space<vmem>>, %arg5: memref<4096x1xf32, #tpu.memory_space<vmem>>, %arg6: memref<4096x1xf32, #tpu.memory_space<vmem>>, %arg7: memref<4096x1xf32, #tpu.memory_space<vmem>>) attributes {dimension_semantics = [#tpu.dimension_semantics<arbitrary>, #tpu.dimension_semantics<arbitrary>], iteration_bounds = array<i64: 2, 8>, scalar_prefetch = 0 : i64, scratch_operands = 0 : i64, tpu.core_type = #tpu.core_type<tc>, window_params = [{transform_indices = @transform_0, window_bounds = array<i64: 4096, 64>}, {transform_indices = @transform_1, window_bounds = array<i64: 1024, 64>}, {transform_indices = @transform_2, window_bounds = array<i64: 1, 1024>}, {transform_indices = @transform_3, window_bounds = array<i64: 4096, 1>}, {transform_indices = @transform_4, window_bounds = array<i64: 4096, 1>}, {transform_indices = @transform_5, window_bounds = array<i64: 4096, 1>}]} {
    %get3A = arith.constant 0 : index
    %get3A_0 = arith.constant 0 : index
    %get3A_1 = vector.load %arg2[%get3A, %get3A_0] : memref<4096x64xf32, #tpu.memory_space<vmem>>, vector<4096x64xf32>
    %get3A_2 = arith.constant 0 : index
    %get3A_3 = arith.constant 0 : index
    %get3A_4 = vector.load %arg3[%get3A_2, %get3A_3] : memref<1024x64xf32, #tpu.memory_space<vmem>>, vector<1024x64xf32>
    %get3A_5 = arith.constant 0 : index
    %get3A_6 = arith.constant 0 : index
    %get3A_7 = vector.load %arg4[%get3A_5, %get3A_6] : memref<1x1024xf32, #tpu.memory_space<vmem>>, vector<1x1024xf32>
    %get3A_8 = arith.constant 0 : index
    %get3A_9 = arith.constant 0 : index
    %get3A_10 = vector.load %arg5[%get3A_8, %get3A_9] : memref<4096x1xf32, #tpu.memory_space<vmem>>, vector<4096x1xf32>
    %convert_element_type3A = arith.truncf %get3A_1 : vector<4096x64xf32> to vector<4096x64xbf16>
    %convert_element_type3A_11 = arith.truncf %get3A_4 : vector<1024x64xf32> to vector<1024x64xbf16>
    %dot_general3A = arith.constant dense<0.000000e+00> : vector<4096x1024xf32>
    %dot_general3A_12 = tpu.matmul %convert_element_type3A, %convert_element_type3A_11, %dot_general3A {dimension_numbers = #tpu.dot_dimension_numbers<[1], [1], [0], [0], [0, 0, 1, 0], [], []>, transpose_lhs_hint = false} : vector<4096x64xbf16>, vector<1024x64xbf16>, vector<4096x1024xf32> -> vector<4096x1024xf32>
    %add3A = vector.broadcast %get3A_10 : vector<4096x1xf32> to vector<4096x1024xf32>
    %add3A_13 = vector.broadcast %get3A_7 : vector<1x1024xf32> to vector<4096x1024xf32>
    %add3A_14 = arith.addf %add3A, %add3A_13 : vector<4096x1024xf32>
    %mul3A = arith.constant 3.125000e-02 : f32
    %mul3A_15 = vector.broadcast %mul3A : f32 to vector<4096x1024xf32>
    %mul3A_16 = arith.mulf %dot_general3A_12, %mul3A_15 : vector<4096x1024xf32>
    %sub3A = arith.subf %add3A_14, %mul3A_16 : vector<4096x1024xf32>
    %reduce_min3A = arith.constant dense<0x7F800000> : vector<4096xf32>
    %reduce_min3A_17 = vector.multi_reduction <minimumf>, %sub3A, %reduce_min3A [1] : vector<4096x1024xf32> to vector<4096xf32>
    %broadcast_in_dim3A = vector.shape_cast %reduce_min3A_17 : vector<4096xf32> to vector<4096x1xf32>
    %mul3A_18 = arith.constant 1024 : i32
    %mul3A_19 = arith.muli %arg1, %mul3A_18 : i32
    %convert_element_type3A_20 = arith.sitofp %mul3A_19 : i32 to f32
    %iota3A = tpu.iota {dimensions = array<i32: 1>} : vector<4096x1024xi32>
    %convert_element_type3A_21 = arith.sitofp %iota3A : vector<4096x1024xi32> to vector<4096x1024xf32>
    %add3A_22 = vector.broadcast %convert_element_type3A_20 : f32 to vector<4096x1024xf32>
    %add3A_23 = arith.addf %add3A_22, %convert_element_type3A_21 : vector<4096x1024xf32>
    %eq3A = vector.broadcast %broadcast_in_dim3A : vector<4096x1xf32> to vector<4096x1024xf32>
    %eq3A_24 = arith.cmpf oeq, %sub3A, %eq3A : vector<4096x1024xf32>
    %jit3A = arith.constant 1.000000e+09 : f32
    %broadcast_in_dim3A_25 = vector.broadcast %jit3A : f32 to vector<4096x1024xf32>
    %select_n3A = arith.select %eq3A_24, %add3A_23, %broadcast_in_dim3A_25 : vector<4096x1024xi1>, vector<4096x1024xf32>
    %reduce_min3A_26 = arith.constant dense<0x7F800000> : vector<4096xf32>
    %reduce_min3A_27 = vector.multi_reduction <minimumf>, %select_n3A, %reduce_min3A_26 [1] : vector<4096x1024xf32> to vector<4096xf32>
    %broadcast_in_dim3A_28 = vector.shape_cast %reduce_min3A_27 : vector<4096xf32> to vector<4096x1xf32>
    %eq3A_29 = arith.constant 0 : i32
    %eq3A_30 = arith.cmpi eq, %arg1, %eq3A_29 : i32
    %convert_element_type3A_31 = arith.extui %eq3A_30 : i1 to i32
    %cond3A = arith.constant 0 : i32
    %cond3A_32 = arith.cmpi ne, %convert_element_type3A_31, %cond3A : i32
    scf.if %cond3A_32 {
      %swap3A = arith.constant 0 : index
      %swap3A_42 = arith.constant 0 : index
      %swap3A_43 = vector.load %arg6[%swap3A, %swap3A_42] : memref<4096x1xf32, #tpu.memory_space<vmem>>, vector<4096x1xf32>
      tpu.vector_store %arg6[%swap3A, %swap3A_42], %broadcast_in_dim3A {strides = array<i32>} : memref<4096x1xf32, #tpu.memory_space<vmem>>, vector<4096x1xf32>,
      %swap3A_44 = arith.constant 0 : index
      %swap3A_45 = arith.constant 0 : index
      %swap3A_46 = vector.load %arg7[%swap3A_44, %swap3A_45] : memref<4096x1xf32, #tpu.memory_space<vmem>>, vector<4096x1xf32>
      tpu.vector_store %arg7[%swap3A_44, %swap3A_45], %broadcast_in_dim3A_28 {strides = array<i32>} : memref<4096x1xf32, #tpu.memory_space<vmem>>, vector<4096x1xf32>,
    } else {
    }
    %gt3A = arith.constant 0 : i32
    %gt3A_33 = arith.cmpi sgt, %arg1, %gt3A : i32
    %convert_element_type3A_34 = arith.extui %gt3A_33 : i1 to i32
    %cond3A_35 = arith.constant 0 : i32
    %cond3A_36 = arith.cmpi ne, %convert_element_type3A_34, %cond3A_35 : i32
    scf.if %cond3A_36 {
      %get3A_42 = arith.constant 0 : index
      %get3A_43 = arith.constant 0 : index
      %get3A_44 = vector.load %arg6[%get3A_42, %get3A_43] : memref<4096x1xf32, #tpu.memory_space<vmem>>, vector<4096x1xf32>
      %lt3A = arith.cmpf olt, %broadcast_in_dim3A, %get3A_44 : vector<4096x1xf32>
      %select_n3A_45 = arith.select %lt3A, %broadcast_in_dim3A, %get3A_44 : vector<4096x1xi1>, vector<4096x1xf32>
      %swap3A = arith.constant 0 : index
      %swap3A_46 = arith.constant 0 : index
      %swap3A_47 = vector.load %arg6[%swap3A, %swap3A_46] : memref<4096x1xf32, #tpu.memory_space<vmem>>, vector<4096x1xf32>
      tpu.vector_store %arg6[%swap3A, %swap3A_46], %select_n3A_45 {strides = array<i32>} : memref<4096x1xf32, #tpu.memory_space<vmem>>, vector<4096x1xf32>,
      %get3A_48 = arith.constant 0 : index
      %get3A_49 = arith.constant 0 : index
      %get3A_50 = vector.load %arg7[%get3A_48, %get3A_49] : memref<4096x1xf32, #tpu.memory_space<vmem>>, vector<4096x1xf32>
      %select_n3A_51 = arith.select %lt3A, %broadcast_in_dim3A_28, %get3A_50 : vector<4096x1xi1>, vector<4096x1xf32>
      %swap3A_52 = arith.constant 0 : index
      %swap3A_53 = arith.constant 0 : index
      %swap3A_54 = vector.load %arg7[%swap3A_52, %swap3A_53] : memref<4096x1xf32, #tpu.memory_space<vmem>>, vector<4096x1xf32>
      tpu.vector_store %arg7[%swap3A_52, %swap3A_53], %select_n3A_51 {strides = array<i32>} : memref<4096x1xf32, #tpu.memory_space<vmem>>, vector<4096x1xf32>,
    } else {
    }
    %eq3A_37 = arith.constant 7 : i32
    %eq3A_38 = arith.cmpi eq, %arg1, %eq3A_37 : i32
    %convert_element_type3A_39 = arith.extui %eq3A_38 : i1 to i32
    %cond3A_40 = arith.constant 0 : i32
    %cond3A_41 = arith.cmpi ne, %convert_element_type3A_39, %cond3A_40 : i32
    scf.if %cond3A_41 {
      %get3A_42 = arith.constant 0 : index
      %get3A_43 = arith.constant 0 : index
      %get3A_44 = vector.load %arg6[%get3A_42, %get3A_43] : memref<4096x1xf32, #tpu.memory_space<vmem>>, vector<4096x1xf32>
      %add3A_45 = arith.constant 1.000000e+00 : f32
      %add3A_46 = vector.broadcast %add3A_45 : f32 to vector<4096x1xf32>
      %add3A_47 = arith.addf %add3A_46, %get3A_44 : vector<4096x1xf32>
      %div3A = arith.constant 1.000000e+00 : f32
      %div3A_48 = vector.broadcast %div3A : f32 to vector<4096x1xf32>
      %div3A_49 = arith.divf %div3A_48, %add3A_47 : vector<4096x1xf32>
      %swap3A = arith.constant 0 : index
      %swap3A_50 = arith.constant 0 : index
      %swap3A_51 = vector.load %arg6[%swap3A, %swap3A_50] : memref<4096x1xf32, #tpu.memory_space<vmem>>, vector<4096x1xf32>
      tpu.vector_store %arg6[%swap3A, %swap3A_50], %div3A_49 {strides = array<i32>} : memref<4096x1xf32, #tpu.memory_space<vmem>>, vector<4096x1xf32>,
    } else {
    }
    return
  }
  func.func @transform_0(%arg0: i32, %arg1: i32) -> (i32, i32) {
    %c0_i32 = arith.constant 0 : i32
    %c0_i32_0 = arith.constant 0 : i32
    return %arg0, %c0_i32 : i32, i32
  }
  func.func @transform_1(%arg0: i32, %arg1: i32) -> (i32, i32) {
    %c0_i32 = arith.constant 0 : i32
    %c0_i32_0 = arith.constant 0 : i32
    return %arg1, %c0_i32 : i32, i32
  }
  func.func @transform_2(%arg0: i32, %arg1: i32) -> (i32, i32) {
    %c0_i32 = arith.constant 0 : i32
    %c0_i32_0 = arith.constant 0 : i32
    return %c0_i32, %arg1 : i32, i32
  }
  func.func @transform_3(%arg0: i32, %arg1: i32) -> (i32, i32) {
    %c0_i32 = arith.constant 0 : i32
    %c0_i32_0 = arith.constant 0 : i32
    return %arg0, %c0_i32 : i32, i32
  }
  func.func @transform_4(%arg0: i32, %arg1: i32) -> (i32, i32) {
    %c0_i32 = arith.constant 0 : i32
    %c0_i32_0 = arith.constant 0 : i32
    return %arg0, %c0_i32 : i32, i32
  }
  func.func @transform_5(%arg0: i32, %arg1: i32) -> (i32, i32) {
    %c0_i32 = arith.constant 0 : i32
    %c0_i32_0 = arith.constant 0 : i32
    return %arg0, %c0_i32 : i32, i32
  }
}

module attributes {stable_mosaic.version = 14 : i64} {
  func.func @_seg_kernel(%arg0: i32, %arg1: i32, %arg2: memref<4096x1xf32, #tpu.memory_space<vmem>>, %arg3: memref<4096x1xf32, #tpu.memory_space<vmem>>, %arg4: memref<4096x64xf32, #tpu.memory_space<vmem>>, %arg5: memref<1024x128xf32, #tpu.memory_space<vmem>>) attributes {dimension_semantics = [#tpu.dimension_semantics<arbitrary>, #tpu.dimension_semantics<arbitrary>], iteration_bounds = array<i64: 8, 2>, scalar_prefetch = 0 : i64, scratch_operands = 0 : i64, tpu.core_type = #tpu.core_type<tc>, window_params = [{transform_indices = @transform_0, window_bounds = array<i64: 4096, 1>}, {transform_indices = @transform_1, window_bounds = array<i64: 4096, 1>}, {transform_indices = @transform_2, window_bounds = array<i64: 4096, 64>}, {transform_indices = @transform_3, window_bounds = array<i64: 1024, 128>}]} {
    %get3A = arith.constant 0 : index
    %get3A_0 = arith.constant 0 : index
    %get3A_1 = vector.load %arg2[%get3A, %get3A_0] : memref<4096x1xf32, #tpu.memory_space<vmem>>, vector<4096x1xf32>
    %get3A_2 = arith.constant 0 : index
    %get3A_3 = arith.constant 0 : index
    %get3A_4 = vector.load %arg3[%get3A_2, %get3A_3] : memref<4096x1xf32, #tpu.memory_space<vmem>>, vector<4096x1xf32>
    %get3A_5 = arith.constant 0 : index
    %get3A_6 = arith.constant 0 : index
    %get3A_7 = vector.load %arg4[%get3A_5, %get3A_6] : memref<4096x64xf32, #tpu.memory_space<vmem>>, vector<4096x64xf32>
    %mul3A = arith.constant 1024 : i32
    %mul3A_8 = arith.muli %arg0, %mul3A : i32
    %convert_element_type3A = arith.sitofp %mul3A_8 : i32 to f32
    %iota3A = tpu.iota {dimensions = array<i32: 1>} : vector<1x1024xi32>
    %convert_element_type3A_9 = arith.sitofp %iota3A : vector<1x1024xi32> to vector<1x1024xf32>
    %add3A = vector.broadcast %convert_element_type3A : f32 to vector<1x1024xf32>
    %add3A_10 = arith.addf %add3A, %convert_element_type3A_9 : vector<1x1024xf32>
    %eq3A = vector.broadcast %get3A_1 : vector<4096x1xf32> to vector<4096x1024xf32>
    %eq3A_11 = vector.broadcast %add3A_10 : vector<1x1024xf32> to vector<4096x1024xf32>
    %eq3A_12 = arith.cmpf oeq, %eq3A, %eq3A_11 : vector<4096x1024xf32>
    %jit3A = arith.constant 1.000000e+00 : f32
    %jit3A_13 = arith.constant 0.000000e+00 : f32
    %broadcast_in_dim3A = vector.broadcast %jit3A : f32 to vector<4096x1024xf32>
    %broadcast_in_dim3A_14 = vector.broadcast %jit3A_13 : f32 to vector<4096x1024xf32>
    %select_n3A = arith.select %eq3A_12, %broadcast_in_dim3A, %broadcast_in_dim3A_14 : vector<4096x1024xi1>, vector<4096x1024xf32>
    %mul3A_15 = vector.broadcast %get3A_4 : vector<4096x1xf32> to vector<4096x1024xf32>
    %mul3A_16 = arith.mulf %select_n3A, %mul3A_15 : vector<4096x1024xf32>
    %broadcast_in_dim3A_17 = arith.constant 1.000000e+00 : f32
    %broadcast_in_dim3A_18 = vector.broadcast %broadcast_in_dim3A_17 : f32 to vector<4096x1xf32>
    %broadcast_in_dim3A_19 = arith.constant 0.000000e+00 : f32
    %broadcast_in_dim3A_20 = vector.broadcast %broadcast_in_dim3A_19 : f32 to vector<4096x63xf32>
    %concatenate3A = tpu.concatenate %get3A_7, %broadcast_in_dim3A_18, %broadcast_in_dim3A_20 in 1 : vector<4096x64xf32>, vector<4096x1xf32>, vector<4096x63xf32> -> vector<4096x128xf32>
    %dot_general3A = arith.constant dense<0.000000e+00> : vector<1024x128xf32>
    %dot_general3A_21 = tpu.matmul %mul3A_16, %concatenate3A, %dot_general3A {dimension_numbers = #tpu.dot_dimension_numbers<[0], [0], [1], [1], [0, 1, 1, 1], [], []>, transpose_lhs_hint = false} : vector<4096x1024xf32>, vector<4096x128xf32>, vector<1024x128xf32> -> vector<1024x128xf32>
    %eq3A_22 = arith.constant 0 : i32
    %eq3A_23 = arith.cmpi eq, %arg1, %eq3A_22 : i32
    %convert_element_type3A_24 = arith.extui %eq3A_23 : i1 to i32
    %cond3A = arith.constant 0 : i32
    %cond3A_25 = arith.cmpi ne, %convert_element_type3A_24, %cond3A : i32
    scf.if %cond3A_25 {
      %swap3A = arith.constant 0 : index
      %swap3A_30 = arith.constant 0 : index
      %swap3A_31 = vector.load %arg5[%swap3A, %swap3A_30] : memref<1024x128xf32, #tpu.memory_space<vmem>>, vector<1024x128xf32>
      tpu.vector_store %arg5[%swap3A, %swap3A_30], %dot_general3A_21 {strides = array<i32>} : memref<1024x128xf32, #tpu.memory_space<vmem>>, vector<1024x128xf32>,
    } else {
    }
    %gt3A = arith.constant 0 : i32
    %gt3A_26 = arith.cmpi sgt, %arg1, %gt3A : i32
    %convert_element_type3A_27 = arith.extui %gt3A_26 : i1 to i32
    %cond3A_28 = arith.constant 0 : i32
    %cond3A_29 = arith.cmpi ne, %convert_element_type3A_27, %cond3A_28 : i32
    scf.if %cond3A_29 {
      %get3A_30 = arith.constant 0 : index
      %get3A_31 = arith.constant 0 : index
      %get3A_32 = vector.load %arg5[%get3A_30, %get3A_31] : memref<1024x128xf32, #tpu.memory_space<vmem>>, vector<1024x128xf32>
      %add3A_33 = arith.addf %get3A_32, %dot_general3A_21 : vector<1024x128xf32>
      %swap3A = arith.constant 0 : index
      %swap3A_34 = arith.constant 0 : index
      %swap3A_35 = vector.load %arg5[%swap3A, %swap3A_34] : memref<1024x128xf32, #tpu.memory_space<vmem>>, vector<1024x128xf32>
      tpu.vector_store %arg5[%swap3A, %swap3A_34], %add3A_33 {strides = array<i32>} : memref<1024x128xf32, #tpu.memory_space<vmem>>, vector<1024x128xf32>,
    } else {
    }
    return
  }
  func.func @transform_0(%arg0: i32, %arg1: i32) -> (i32, i32) {
    %c0_i32 = arith.constant 0 : i32
    %c0_i32_0 = arith.constant 0 : i32
    return %arg1, %c0_i32 : i32, i32
  }
  func.func @transform_1(%arg0: i32, %arg1: i32) -> (i32, i32) {
    %c0_i32 = arith.constant 0 : i32
    %c0_i32_0 = arith.constant 0 : i32
    return %arg1, %c0_i32 : i32, i32
  }
  func.func @transform_2(%arg0: i32, %arg1: i32) -> (i32, i32) {
    %c0_i32 = arith.constant 0 : i32
    %c0_i32_0 = arith.constant 0 : i32
    return %arg1, %c0_i32 : i32, i32
  }
  func.func @transform_3(%arg0: i32, %arg1: i32) -> (i32, i32) {
    %c0_i32 = arith.constant 0 : i32
    %c0_i32_0 = arith.constant 0 : i32
    return %arg0, %c0_i32 : i32, i32
  }
}

module attributes {stable_mosaic.version = 14 : i64} {
  func.func @_compact_kernel(%arg0: i32, %arg1: memref<512x128xf32, #tpu.memory_space<vmem>>, %arg2: memref<4608x1xi32, #tpu.memory_space<vmem>>, %arg3: memref<1xi32, #tpu.memory_space<smem>>) attributes {dimension_semantics = [#tpu.dimension_semantics<arbitrary>], iteration_bounds = array<i64: 16>, scalar_prefetch = 0 : i64, scratch_operands = 1 : i64, tpu.core_type = #tpu.core_type<tc>, window_params = [{transform_indices = @transform_0, window_bounds = array<i64: 512, 128>}, {pipeline_mode = #tpu.pipeline_mode<synchronous>, transform_indices = @transform_1, window_bounds = array<i64: 4608, 1>}]} {
    %get3A = arith.constant 0 : index
    %get3A_0 = arith.constant 64 : index
    %get3A_1 = vector.load %arg1[%get3A, %get3A_0] : memref<512x128xf32, #tpu.memory_space<vmem>>, vector<512x1xf32>
    %gt3A = arith.constant 0.000000e+00 : f32
    %gt3A_2 = vector.broadcast %gt3A : f32 to vector<512x1xf32>
    %gt3A_3 = arith.cmpf ogt, %get3A_1, %gt3A_2 : vector<512x1xf32>
    %jit3A = arith.constant 1.000000e+00 : f32
    %jit3A_4 = arith.constant 0.000000e+00 : f32
    %broadcast_in_dim3A = vector.broadcast %jit3A : f32 to vector<512x1xf32>
    %broadcast_in_dim3A_5 = vector.broadcast %jit3A_4 : f32 to vector<512x1xf32>
    %select_n3A = arith.select %gt3A_3, %broadcast_in_dim3A, %broadcast_in_dim3A_5 : vector<512x1xi1>, vector<512x1xf32>
    %eq3A = arith.constant 0 : i32
    %eq3A_6 = arith.cmpi eq, %arg0, %eq3A : i32
    %convert_element_type3A = arith.extui %eq3A_6 : i1 to i32
    %cond3A = arith.constant 0 : i32
    %cond3A_7 = arith.cmpi ne, %convert_element_type3A, %cond3A : i32
    scf.if %cond3A_7 {
      %swap3A_49 = arith.constant 0 : i32
      %swap3A_50 = arith.constant 0 : index
      %swap3A_51 = memref.load %arg3[%swap3A_50] : memref<1xi32, #tpu.memory_space<smem>>
      memref.store %swap3A_49, %arg3[%swap3A_50] : memref<1xi32, #tpu.memory_space<smem>>
      %broadcast_in_dim3A_52 = arith.constant 0 : i32
      %broadcast_in_dim3A_53 = vector.broadcast %broadcast_in_dim3A_52 : i32 to vector<4608x1xi32>
      %swap3A_54 = arith.constant 0 : index
      %swap3A_55 = arith.constant 0 : index
      %swap3A_56 = vector.load %arg2[%swap3A_54, %swap3A_55] : memref<4608x1xi32, #tpu.memory_space<vmem>>, vector<4608x1xi32>
      tpu.vector_store %arg2[%swap3A_54, %swap3A_55], %broadcast_in_dim3A_53 {strides = array<i32>} : memref<4608x1xi32, #tpu.memory_space<vmem>>, vector<4608x1xi32>,
    } else {
    }
    %iota3A = tpu.iota {dimensions = array<i32: 0>} : vector<512x512xi32>
    %iota3A_8 = tpu.iota {dimensions = array<i32: 1>} : vector<512x512xi32>
    %lt3A = arith.cmpi slt, %iota3A_8, %iota3A : vector<512x512xi32>
    %jit3A_9 = arith.constant 1.000000e+00 : f32
    %jit3A_10 = arith.constant 0.000000e+00 : f32
    %broadcast_in_dim3A_11 = vector.broadcast %jit3A_9 : f32 to vector<512x512xf32>
    %broadcast_in_dim3A_12 = vector.broadcast %jit3A_10 : f32 to vector<512x512xf32>
    %select_n3A_13 = arith.select %lt3A, %broadcast_in_dim3A_11, %broadcast_in_dim3A_12 : vector<512x512xi1>, vector<512x512xf32>
    %dot_general3A = arith.constant dense<0.000000e+00> : vector<512x1xf32>
    %dot_general3A_14 = tpu.matmul %select_n3A_13, %select_n3A, %dot_general3A {dimension_numbers = #tpu.dot_dimension_numbers<[1], [0], [0], [1], [0, 0, 1, 1], [], []>, precision = #tpu.contract_precision<fp32>, transpose_lhs_hint = false} : vector<512x512xf32>, vector<512x1xf32>, vector<512x1xf32> -> vector<512x1xf32>
    %iota3A_15 = tpu.iota {dimensions = array<i32: 1>} : vector<1x512xi32>
    %convert_element_type3A_16 = arith.sitofp %iota3A_15 : vector<1x512xi32> to vector<1x512xf32>
    %eq3A_17 = vector.broadcast %dot_general3A_14 : vector<512x1xf32> to vector<512x512xf32>
    %eq3A_18 = vector.broadcast %convert_element_type3A_16 : vector<1x512xf32> to vector<512x512xf32>
    %eq3A_19 = arith.cmpf oeq, %eq3A_17, %eq3A_18 : vector<512x512xf32>
    %gt3A_20 = arith.constant 0.000000e+00 : f32
    %gt3A_21 = vector.broadcast %gt3A_20 : f32 to vector<512x1xf32>
    %gt3A_22 = arith.cmpf ogt, %get3A_1, %gt3A_21 : vector<512x1xf32>
    %and3A = vector.broadcast %gt3A_22 : vector<512x1xi1> to vector<512x512xi1>
    %and3A_23 = arith.andi %eq3A_19, %and3A : vector<512x512xi1>
    %jit3A_24 = arith.constant 1.000000e+00 : f32
    %jit3A_25 = arith.constant 0.000000e+00 : f32
    %broadcast_in_dim3A_26 = vector.broadcast %jit3A_24 : f32 to vector<512x512xf32>
    %broadcast_in_dim3A_27 = vector.broadcast %jit3A_25 : f32 to vector<512x512xf32>
    %select_n3A_28 = arith.select %and3A_23, %broadcast_in_dim3A_26, %broadcast_in_dim3A_27 : vector<512x512xi1>, vector<512x512xf32>
    %mul3A = arith.constant 512 : i32
    %mul3A_29 = arith.muli %arg0, %mul3A : i32
    %convert_element_type3A_30 = arith.sitofp %mul3A_29 : i32 to f32
    %iota3A_31 = tpu.iota {dimensions = array<i32: 0>} : vector<512x1xi32>
    %convert_element_type3A_32 = arith.sitofp %iota3A_31 : vector<512x1xi32> to vector<512x1xf32>
    %add3A = vector.broadcast %convert_element_type3A_30 : f32 to vector<512x1xf32>
    %add3A_33 = arith.addf %add3A, %convert_element_type3A_32 : vector<512x1xf32>
    %dot_general3A_34 = arith.constant dense<0.000000e+00> : vector<512x1xf32>
    %dot_general3A_35 = tpu.matmul %select_n3A_28, %add3A_33, %dot_general3A_34 {dimension_numbers = #tpu.dot_dimension_numbers<[0], [0], [1], [1], [0, 1, 1, 1], [], []>, precision = #tpu.contract_precision<fp32>, transpose_lhs_hint = false} : vector<512x512xf32>, vector<512x1xf32>, vector<512x1xf32> -> vector<512x1xf32>
    %get3A_36 = arith.constant 0 : index
    %get3A_37 = memref.load %arg3[%get3A_36] : memref<1xi32, #tpu.memory_space<smem>>
    %convert_element_type3A_38 = arith.fptosi %dot_general3A_35 : vector<512x1xf32> to vector<512x1xi32>
    %swap3A = arith.index_cast %get3A_37 : i32 to index
    %swap3A_39 = arith.constant 0 : index
    %swap3A_40 = vector.load %arg2[%swap3A, %swap3A_39] : memref<4608x1xi32, #tpu.memory_space<vmem>>, vector<512x1xi32>
    tpu.vector_store %arg2[%swap3A, %swap3A_39], %convert_element_type3A_38 {strides = array<i32>} : memref<4608x1xi32, #tpu.memory_space<vmem>>, vector<512x1xi32>,
    %reduce_sum3A = vector.shape_cast %select_n3A : vector<512x1xf32> to vector<1x512x1xf32>
    %reduce_sum3A_41 = arith.constant dense<0.000000e+00> : vector<1xf32>
    %reduce_sum3A_42 = vector.multi_reduction <add>, %reduce_sum3A, %reduce_sum3A_41 [1, 2] : vector<1x512x1xf32> to vector<1xf32>
    %reduce_sum3A_43 = vector.shape_cast %reduce_sum3A_42 : vector<1xf32> to vector<1x1x1xf32>
    %reduce_sum3A_44 = vector.extract %reduce_sum3A_43[0, 0, 0] : f32 from vector<1x1x1xf32>
    %convert_element_type3A_45 = arith.fptosi %reduce_sum3A_44 : f32 to i32
    %add3A_46 = arith.addi %get3A_37, %convert_element_type3A_45 : i32
    %swap3A_47 = arith.constant 0 : index
    %swap3A_48 = memref.load %arg3[%swap3A_47] : memref<1xi32, #tpu.memory_space<smem>>
    memref.store %add3A_46, %arg3[%swap3A_47] : memref<1xi32, #tpu.memory_space<smem>>
    return
  }
  func.func @transform_0(%arg0: i32) -> (i32, i32) {
    %c0_i32 = arith.constant 0 : i32
    %c0_i32_0 = arith.constant 0 : i32
    return %arg0, %c0_i32 : i32, i32
  }
  func.func @transform_1(%arg0: i32) -> (i32, i32) {
    %c0_i32 = arith.constant 0 : i32
    %c0_i32_0 = arith.constant 0 : i32
    %c0_i32_1 = arith.constant 0 : i32
    return %c0_i32, %c0_i32_0 : i32, i32
  }
}

module attributes {stable_mosaic.version = 14 : i64} {
  func.func @_update_kernel(%arg0: i32, %arg1: memref<512x128xf32, #tpu.memory_space<vmem>>, %arg2: memref<512x128xf32, #tpu.memory_space<vmem>>, %arg3: memref<512x64xf32, #tpu.memory_space<vmem>>, %arg4: memref<512x64xf32, #tpu.memory_space<vmem>>, %arg5: memref<512x64xf32, #tpu.memory_space<vmem>>) attributes {dimension_semantics = [#tpu.dimension_semantics<arbitrary>], iteration_bounds = array<i64: 8>, scalar_prefetch = 0 : i64, scratch_operands = 0 : i64, tpu.core_type = #tpu.core_type<tc>, window_params = [{transform_indices = @transform_0, window_bounds = array<i64: 512, 128>}, {transform_indices = @transform_1, window_bounds = array<i64: 512, 128>}, {transform_indices = @transform_2, window_bounds = array<i64: 512, 64>}, {transform_indices = @transform_3, window_bounds = array<i64: 512, 64>}, {transform_indices = @transform_4, window_bounds = array<i64: 512, 64>}]} {
    %get3A = arith.constant 0 : index
    %get3A_0 = arith.constant 0 : index
    %get3A_1 = vector.load %arg1[%get3A, %get3A_0] : memref<512x128xf32, #tpu.memory_space<vmem>>, vector<512x128xf32>
    %get3A_2 = arith.constant 0 : index
    %get3A_3 = arith.constant 0 : index
    %get3A_4 = vector.load %arg2[%get3A_2, %get3A_3] : memref<512x128xf32, #tpu.memory_space<vmem>>, vector<512x128xf32>
    %slice3A = vector.extract_strided_slice %get3A_1 {offsets = [0, 0], sizes = [512, 64], strides = [1, 1]} : vector<512x128xf32> to vector<512x64xf32>
    %slice3A_5 = vector.extract_strided_slice %get3A_1 {offsets = [0, 64], sizes = [512, 1], strides = [1, 1]} : vector<512x128xf32> to vector<512x1xf32>
    %slice3A_6 = vector.extract_strided_slice %get3A_4 {offsets = [0, 0], sizes = [512, 64], strides = [1, 1]} : vector<512x128xf32> to vector<512x64xf32>
    %slice3A_7 = vector.extract_strided_slice %get3A_4 {offsets = [0, 64], sizes = [512, 64], strides = [1, 1]} : vector<512x128xf32> to vector<512x64xf32>
    %div3A = vector.broadcast %slice3A_5 : vector<512x1xf32> to vector<512x64xf32>
    %div3A_8 = arith.divf %slice3A, %div3A : vector<512x64xf32>
    %sub3A = arith.subf %div3A_8, %slice3A_6 : vector<512x64xf32>
    %abs3A = math.absf %sub3A : vector<512x64xf32>
    %mul3A = arith.constant 2.000000e-03 : f32
    %mul3A_9 = vector.broadcast %mul3A : f32 to vector<512x64xf32>
    %mul3A_10 = arith.mulf %mul3A_9, %abs3A : vector<512x64xf32>
    %mul3A_11 = arith.constant 9.980000e-01 : f32
    %mul3A_12 = vector.broadcast %mul3A_11 : f32 to vector<512x64xf32>
    %mul3A_13 = arith.mulf %mul3A_12, %slice3A_7 : vector<512x64xf32>
    %add3A = arith.addf %mul3A_10, %mul3A_13 : vector<512x64xf32>
    %reduce_max3A = arith.constant dense<0xFF800000> : vector<512xf32>
    %reduce_max3A_14 = vector.multi_reduction <maximumf>, %add3A, %reduce_max3A [1] : vector<512x64xf32> to vector<512xf32>
    %broadcast_in_dim3A = vector.shape_cast %reduce_max3A_14 : vector<512xf32> to vector<512x1xf32>
    %reduce_min3A = arith.constant dense<0x7F800000> : vector<512xf32>
    %reduce_min3A_15 = vector.multi_reduction <minimumf>, %add3A, %reduce_min3A [1] : vector<512x64xf32> to vector<512xf32>
    %broadcast_in_dim3A_16 = vector.shape_cast %reduce_min3A_15 : vector<512xf32> to vector<512x1xf32>
    %reduce_sum3A = arith.constant dense<0.000000e+00> : vector<512xf32>
    %reduce_sum3A_17 = vector.multi_reduction <add>, %add3A, %reduce_sum3A [1] : vector<512x64xf32> to vector<512xf32>
    %broadcast_in_dim3A_18 = vector.shape_cast %reduce_sum3A_17 : vector<512xf32> to vector<512x1xf32>
    %div3A_19 = arith.constant 6.400000e+01 : f32
    %div3A_20 = vector.broadcast %div3A_19 : f32 to vector<512x1xf32>
    %div3A_21 = arith.divf %broadcast_in_dim3A_18, %div3A_20 : vector<512x1xf32>
    %sub3A_22 = vector.broadcast %div3A_21 : vector<512x1xf32> to vector<512x64xf32>
    %sub3A_23 = arith.subf %add3A, %sub3A_22 : vector<512x64xf32>
    %sub3A_24 = arith.subf %broadcast_in_dim3A, %broadcast_in_dim3A_16 : vector<512x1xf32>
    %mul3A_25 = arith.constant 5.000000e-01 : f32
    %mul3A_26 = vector.broadcast %mul3A_25 : f32 to vector<512x1xf32>
    %mul3A_27 = arith.mulf %mul3A_26, %sub3A_24 : vector<512x1xf32>
    %div3A_28 = vector.broadcast %mul3A_27 : vector<512x1xf32> to vector<512x64xf32>
    %div3A_29 = arith.divf %sub3A_23, %div3A_28 : vector<512x64xf32>
    %exp3A = math.exp %div3A_29 : vector<512x64xf32>
    %add3A_30 = arith.constant 1.000000e+00 : f32
    %add3A_31 = vector.broadcast %add3A_30 : f32 to vector<512x64xf32>
    %add3A_32 = arith.addf %add3A_31, %exp3A : vector<512x64xf32>
    %div3A_33 = arith.constant 1.000000e+00 : f32
    %div3A_34 = vector.broadcast %div3A_33 : f32 to vector<512x64xf32>
    %div3A_35 = arith.divf %div3A_34, %add3A_32 : vector<512x64xf32>
    %ne3A = arith.cmpf one, %div3A_35, %div3A_35 : vector<512x64xf32>
    %jit3A = arith.constant 1.000000e+00 : f32
    %broadcast_in_dim3A_36 = vector.broadcast %jit3A : f32 to vector<512x64xf32>
    %select_n3A = arith.select %ne3A, %broadcast_in_dim3A_36, %div3A_35 : vector<512x64xi1>, vector<512x64xf32>
    %swap3A = arith.constant 0 : index
    %swap3A_37 = arith.constant 0 : index
    %swap3A_38 = vector.load %arg3[%swap3A, %swap3A_37] : memref<512x64xf32, #tpu.memory_space<vmem>>, vector<512x64xf32>
    tpu.vector_store %arg3[%swap3A, %swap3A_37], %div3A_8 {strides = array<i32>} : memref<512x64xf32, #tpu.memory_space<vmem>>, vector<512x64xf32>,
    %sub3A_39 = arith.subf %div3A_8, %slice3A_6 : vector<512x64xf32>
    %mul3A_40 = arith.constant 2.000000e-02 : f32
    %mul3A_41 = vector.broadcast %mul3A_40 : f32 to vector<512x64xf32>
    %mul3A_42 = arith.mulf %mul3A_41, %sub3A_39 : vector<512x64xf32>
    %add3A_43 = arith.addf %slice3A_6, %mul3A_42 : vector<512x64xf32>
    %swap3A_44 = arith.constant 0 : index
    %swap3A_45 = arith.constant 0 : index
    %swap3A_46 = vector.load %arg4[%swap3A_44, %swap3A_45] : memref<512x64xf32, #tpu.memory_space<vmem>>, vector<512x64xf32>
    tpu.vector_store %arg4[%swap3A_44, %swap3A_45], %add3A_43 {strides = array<i32>} : memref<512x64xf32, #tpu.memory_space<vmem>>, vector<512x64xf32>,
    %swap3A_47 = arith.constant 0 : index
    %swap3A_48 = arith.constant 0 : index
    %swap3A_49 = vector.load %arg5[%swap3A_47, %swap3A_48] : memref<512x64xf32, #tpu.memory_space<vmem>>, vector<512x64xf32>
    tpu.vector_store %arg5[%swap3A_47, %swap3A_48], %select_n3A {strides = array<i32>} : memref<512x64xf32, #tpu.memory_space<vmem>>, vector<512x64xf32>,
    return
  }
  func.func @transform_0(%arg0: i32) -> (i32, i32) {
    %c0_i32 = arith.constant 0 : i32
    %c0_i32_0 = arith.constant 0 : i32
    return %arg0, %c0_i32 : i32, i32
  }
  func.func @transform_1(%arg0: i32) -> (i32, i32) {
    %c0_i32 = arith.constant 0 : i32
    %c0_i32_0 = arith.constant 0 : i32
    return %arg0, %c0_i32 : i32, i32
  }
  func.func @transform_2(%arg0: i32) -> (i32, i32) {
    %c0_i32 = arith.constant 0 : i32
    %c0_i32_0 = arith.constant 0 : i32
    return %arg0, %c0_i32 : i32, i32
  }
  func.func @transform_3(%arg0: i32) -> (i32, i32) {
    %c0_i32 = arith.constant 0 : i32
    %c0_i32_0 = arith.constant 0 : i32
    return %arg0, %c0_i32 : i32, i32
  }
  func.func @transform_4(%arg0: i32) -> (i32, i32) {
    %c0_i32 = arith.constant 0 : i32
    %c0_i32_0 = arith.constant 0 : i32
    return %arg0, %c0_i32 : i32, i32
  }
}

</mosaic_0001>

<sc_bundles>
// kernel: kernel.9.cloned.1.call-start
scs
__scs_entry_jumppad:
0x0: {  	(pc) =	sbr.rel $0x88, $3  }
0x1: {  	(tag) =	ssettag $0x0;
	lr =	simm.s32 $0x1  }
0x2: {  	[smem:$0x3F9D] =	sst lr;
	_ =	strace $0xD0000000  }
0x3: {  	_ = 	snop  }
0x4: {  	_ = 	snop  }
0x5: {  	_ = 	snop  }
0x6: {  	_ = 	snop  }
0x7: {  	_ = 	snop  }
__scs_overlays_trampoline_lowered:
0x8: {  	[smem:$0x3FAC] =	sst s0  }
0x9: {  	[smem:$0x3FAD] =	sst s1  }
0xa: {  	[smem:$0x3FAE] =	sst s2  }
0xb: {  	[smem:$0x3FAF] =	sst s3  }
0xc: {  	[smem:$0x3FB0] =	sst s4  }
0xd: {  	[smem:$0x3FB1] =	sst s5  }
0xe: {  	[smem:$0x3FB2] =	sst s6  }
0xf: {  	[smem:$0x3FB3] =	sst s7  }
0x10: {  	[smem:$0x3FB4] =	sst s8  }
0x11: {  	[smem:$0x3FB5] =	sst s9;
	s0 =	simm.s32 @!p0 $0x0  }
0x12: {  	s1 =	sld [smem:$0x3F9B];
	s0 =	simm.s32 @p0 $0x1  }
0x13: {  	[smem:$0x3FB6] =	sst s0;
	s0 =	simm.s32 @!p1 $0x0  }
0x14: {  	s2 =	sld [smem:$0x3F9A];
	s0 =	simm.s32 @p1 $0x1  }
0x15: {  	[smem:$0x3FB7] =	sst s0;
	s0 =	simm.s32 @!p2 $0x0  }
0x16: {  	s3 =	sld [smem:$0x3FDB];
	s0 =	simm.s32 @p2 $0x1  }
0x17: {  	s4 =	simm.s32 $0x1BF5;
	[smem:$0x3FB9] =	sst s0  }
0x18: {  	s0 =	sld [smem:$0x3F9C];
	_ =	swait.ge [sflag:s4], $0x0  }
0x19: {  	s7 =	sld [smem:$0x3F9D]  }
0x1a: {  	s8 =	sadd.s32 $0xFFFFE003, lr  }
0x1b: {  	s9 =	sadd.s32 $0xFFFFFEF7, lr;
	s5 =	simm.s32 $0xFFFFFFFF;
	p2 =	slt.u32 s8, $0xFFFFF086  }
0x1c: {  	p1 =	slt.u32 s9, $0xF7A;
	s5 =	simm.s32 @!p2 $0x0  }
0x1d: {  	s5 =	simm.s32 @p1 $0x1;
	p0 =	seq.s32 s7, s2  }
0x1e: {  	s7 =	smul.u32 @!p0 $0xF7A, s2;
	p2 =	seq.s32 @!p0 s5, $0x0  }
0x1f: {  	s9 =	smul.u32 $0xF7A, s1;
	s8 =	simm.s32 @!p0 $0x1BF5;
	p2 =	por !p2, p0  }
0x20: {  	[sflag:s8] =	ssyncset.s32 @!p0 $0xFFFFF086;
	s6 =	sadd.s32 @!p0 s3, s7;
	s7 =	simm.s32 @!p0 $0x108  }
0x21: {  	s3 =	sadd.s32 s3, s9;
	s6 =	sadd.s32 @!p0 $0x88, s6;
	s7 =	simm.s32 @p2 $0x1082  }
0x22: {  	[simem:s7], [sflag:s8] =	dma.local @!p0 [hbm:s6], $0xF7A  }
0x23: {  	s9 =	sor.u32 $0xD0000000, s2;
	s6 =	simm.s32 $0x108;
	_ =	swait.ge @!p0 [sflag:s8], $0x0  }
0x24: {  	s3 =	sadd.s32 $0x88, s3;
	s6 =	simm.s32 @!p1 $0x1082;
	[sflag:s4] =	ssyncset.s32 $0xFFFFF086  }
0x25: {  	[simem:s6], [sflag:s4] =	dma.local [hbm:s3], $0xF7A  }
0x26: {  	[smem:$0x3F9D] =	sst s1;
	(tag) =	ssettag s2;
	_ =	strace s9  }
0x27: {  	s1 =	sld [smem:$0x3FAD]  }
0x28: {  	s2 =	sld [smem:$0x3FAE]  }
0x29: {  	s4 =	sld [smem:$0x3FB0]  }
0x2a: {  	p0 =	seq.s32 s5, $0x0;
	s5 =	sld [smem:$0x3FB1]  }
0x2b: {  	s6 =	sld [smem:$0x3FB2]  }
0x2c: {  	s7 =	sld [smem:$0x3FB3]  }
0x2d: {  	s3 =	simm.s32 $0x108;
	s8 =	sld [smem:$0x3FB4]  }
0x2e: {  	s3 =	simm.s32 @!p0 $0x1082;
	s9 =	sld [smem:$0x3FB5]  }
0x2f: {  	lr =	sadd.s32 s0, s3;
	s0 =	sld [smem:$0x3FAC]  }
0x30: {  	s3 =	sld [smem:$0x3FAF]  }
0x31: {  	[smem:$0x3FB8] =	sst s10  }
0x32: {  	s10 =	sld [smem:$0x3FB6];
	_ =	sdelay $0x3  }
0x33: {  	p0 =	seq.s32 s10, $0x1;
	s10 =	sld [smem:$0x3FB8];
	_ =	sdelay $0x3  }
0x34: {  	[smem:$0x3FB8] =	sst s10  }
0x35: {  	s10 =	sld [smem:$0x3FB7];
	_ =	sdelay $0x3  }
0x36: {  	p1 =	seq.s32 s10, $0x1;
	s10 =	sld [smem:$0x3FB8];
	_ =	sdelay $0x3  }
0x37: {  	[smem:$0x3FB8] =	sst s10  }
0x38: {  	s10 =	sld [smem:$0x3FB9]  }
0x39: {  	_ = 	snop;
	(pc) =	sbr.ind lr, $3  }
0x3a: {  	_ = 	snop  }
0x3b: {  	_ = 	snop  }
0x3c: {  	p2 =	seq.s32 s10, $0x1;
	s10 =	sld [smem:$0x3FB8]  }
0x3d: {  	_ =	shalt  }
0x3e: {  	_ =	shalt  }
0x3f: {  	_ =	shalt  }
0x40: {  	_ =	shalt  }
0x41: {  	_ =	shalt  }
0x42: {  	_ =	shalt  }
0x43: {  	_ =	shalt  }
0x44: {  	_ =	shalt  }
0x45: {  	_ =	shalt  }
0x46: {  	_ =	shalt  }
0x47: {  	_ =	shalt  }
0x48: {  	_ =	shalt  }
0x49: {  	_ =	shalt  }
0x4a: {  	_ =	shalt  }
0x4b: {  	_ =	shalt  }
0x4c: {  	_ =	shalt  }
0x4d: {  	_ =	shalt  }
0x4e: {  	_ =	shalt  }
0x4f: {  	_ =	shalt  }
0x50: {  	_ =	shalt  }
0x51: {  	_ =	shalt  }
0x52: {  	_ =	shalt  }
0x53: {  	_ =	shalt  }
0x54: {  	_ =	shalt  }
0x55: {  	_ =	shalt  }
0x56: {  	_ =	shalt  }
0x57: {  	_ =	shalt  }
0x58: {  	_ =	shalt  }
0x59: {  	_ =	shalt  }
0x5a: {  	_ =	shalt  }
0x5b: {  	_ =	shalt  }
0x5c: {  	_ =	shalt  }
0x5d: {  	_ =	shalt  }
0x5e: {  	_ =	shalt  }
0x5f: {  	_ =	shalt  }
0x60: {  	_ =	shalt  }
0x61: {  	_ =	shalt  }
0x62: {  	_ =	shalt  }
0x63: {  	_ =	shalt  }
0x64: {  	_ =	shalt  }
0x65: {  	_ =	shalt  }
0x66: {  	_ =	shalt  }
0x67: {  	_ =	shalt  }
0x68: {  	_ =	shalt  }
0x69: {  	_ =	shalt  }
0x6a: {  	_ =	shalt  }
0x6b: {  	_ =	shalt  }
0x6c: {  	_ =	shalt  }
0x6d: {  	_ =	shalt  }
0x6e: {  	_ =	shalt  }
0x6f: {  	_ =	shalt  }
0x70: {  	_ =	shalt  }
0x71: {  	_ =	shalt  }
0x72: {  	_ =	shalt  }
0x73: {  	_ =	shalt  }
0x74: {  	_ =	shalt  }
0x75: {  	_ =	shalt  }
0x76: {  	_ =	shalt  }
0x77: {  	_ =	shalt  }
0x78: {  	_ =	shalt  }
0x79: {  	_ =	shalt  }
0x7a: {  	_ =	shalt  }
0x7b: {  	_ =	shalt  }
0x7c: {  	_ =	shalt  }
0x7d: {  	_ =	shalt  }
0x7e: {  	_ =	shalt  }
0x7f: {  	_ =	shalt  }
0x80: {  	_ =	shalt  }
0x81: {  	_ =	shalt  }
0x82: {  	_ =	shalt  }
0x83: {  	_ =	shalt  }
0x84: {  	_ =	shalt  }
0x85: {  	_ =	shalt  }
0x86: {  	_ =	shalt  }
0x87: {  	_ =	shalt  }
.Lfunc_end0:
.L_simem_size_0:
called_computation_lowered:
.L_overlay_start_0:
0x88: {  	s2 =	sld [smem:$0x3FD9]  }
0x89: {  	s3 =	sld [smem:$0x3FFE];
	_ =	sdelay $0x1  }
0x8a: {  	s1 =	srdreg.scid  }
0x8b: {  	s0 =	sand.u32 $0x1, s1  }
0x8c: {  	s14 =	sshll.u32 s0, $0xA;
	s2 =	sadd.s32 s3, s2  }
0x8d: {  	s2 =	sadd.s32 s2, s14  }
0x8e: {  	[smem:$0x3FC4] =	sst s2  }
0x8f: {  	_ = 	snop  }
0x90: {  	s2 =	sld [smem:$0x3FD0];
	_ =	sdelay $0x2  }
0x91: {  	s15 =	simm.s32 $0xA;
	s4 =	simm.s32 $0x10  }
0x92: {  	[smem:s4], [sflag:s15] =	dma.local [hbm:s2], $0x1  }
0x93: {  	_ =	swait.eq [sflag:s15], $0x1  }
0x94: {  	[sflag:s15] =	ssyncset.done $0x0  }
0x95: {  	[sflag:s15] =	ssyncadd.s32 $0xFFFFFFFF  }
0x96: {  	s16 =	sld [smem:$0x12];
	(tm) =	ssettm $0x1  }
0x97: {  	s17 =	sld [smem:$0x3FFB];
	_ =	sdelay $0x3  }
0x98: {  	_ =	strace s17  }
0x99: {  	s3 =	sld [smem:$0x3FFC];
	_ =	sdelay $0x3  }
0x9a: {  	_ =	strace s3  }
0x9b: {  	s3 =	sld [smem:$0x3FFD];
	_ =	sdelay $0x3  }
0x9c: {  	_ =	strace s3  }
0x9d: {  	_ =	strace $0x8FFFFFFF  }
0x9e: {  	s18 =	sld [smem:$0x3FDB];
	_ =	sdelay $0x1  }
0x9f: {  	s19 =	simm.s32 $_scs_section_size  }
0xa0: {  	s5 =	simm.s32 $_size__tile_overlayer_lowered;
	s6 =	simm.s32 $_tile_overlayer_lowered  }
0xa1: {  	s22 =	simm.s32 $0x1BFF;
	s21 =	sshll.u32 s6, $0x1;
	s3 =	sadd.s32 s19, s18  }
0xa2: {  	s7 =	simm.s32 $0x0;
	s20 =	sshll.u32 s5, $0x1;
	s5 =	sadd.s32 s21, s3  }
0xa3: {  	[timem:s7], [sflag:s22] =	dma.local [hbm:s5], s20  }
0xa4: {  	_ =	swait.ge [sflag:s22], s20  }
0xa5: {  	s4 =	ssub.s32 $0x0, s20;
	[sflag:s22] =	ssyncset.done $0x0  }
0xa6: {  	[sflag:s22] =	ssyncadd.s32 s4;
	_ =	sdelay $0x1  }
0xa7: {  	s23 =	simm.s32 $0x1B8B  }
0xa8: {  	_ =	swait.ge [sflag:s23], $0x1  }
0xa9: {  	[sflag:s23] =	ssyncset.done $0x0  }
0xaa: {  	s25 =	simm.s32 $0x1B8E;
	s24 =	sld [smem:$0x3FFE];
	[sflag:s23] =	ssyncadd.s32 $0xFFFFFFFF  }
0xab: {  	s26 =	simm.s32 $execute0_lowered;
	[smem:$0x3FD2] =	sst s25  }
0xac: {  	s5 =	sshll.u32 s26, $0x1;
	_ =	strace $0x80000046;
	[dreg:$0x1] =	wrdreg $0xFFFFFFFF  }
0xad: {  	s28 =	simm.s32 $_size_execute0_lowered;
	s3 =	sadd.s32 s3, s5;
	[dreg:$0x0] =	wrdreg $0x0  }
0xae: {  	s5 =	sshll.u32 s28, $0x1;
	[dreg:$0x2] =	wrdreg s3  }
0xaf: {  	[dreg:$0x3] =	wrdreg s5  }
0xb0: {  	[dreg:$0x4] =	wrdreg $0xC0  }
0xb1: {  	_ =	task [dreg:s7], $0x5FFFF  }
0xb2: {  	[dreg:$0x1] =	wrdreg $0xFFFFFFFF  }
0xb3: {  	[dreg:$0x0] =	wrdreg $0x60  }
0xb4: {  	[dreg:$0x2] =	wrdreg s16  }
0xb5: {  	[dreg:$0x3] =	wrdreg s24  }
0xb6: {  	[dreg:$0x4] =	wrdreg $0x9  }
0xb7: {  	_ =	task.clear_ibuf [dreg:s7], $0x5FFFF;
	_ =	strace $0x90000046  }
0xb8: {  	s29 =	simm.s32 $0x9;
	_ =	strace $0x80000048  }
0xb9: {  	_ =	swait.ge [sflag:s29], $0x1  }
0xba: {  	[sflag:s29] =	ssyncadd.s32 $0xFFFFFFFF  }
0xbb: {  	_ =	strace $0x90000048  }
0xbc: {  	_ =	sfence  }
0xbd: {  	s30 =	sld [smem:$0x0];
	_ =	sdelay $0x2  }
0xbe: {  	s31 =	sshll.u32 s1, $0xD;
	s1 =	sshrl.u32 s1, $0x2  }
0xbf: {  	s3 =	sand.u32 $0x4000, s31;
	s1 =	sadd.s32 s1, s30  }
0xc0: {  	s0 =	sor.u32 s3, s0;
	s1 =	sshll.u32 s1, $0x11  }
0xc1: {  	s0 =	sor.u32 s1, s0  }
0xc2: {  	s0 =	sadd.s32 $0x8F2B, s0  }
0xc3: {  	[sflag:s0] =	ssyncadd.remote.s32 $0x1  }
0xc4: {  	_ =	sfence.sel $0xFFFF  }
0xc5: {  	[dreg:$0x0] =	wrdreg $0xFFFFFFFF;
	(pc) =	sbr.abs _section_cstart, $3  }
0xc6: {  	[dreg:$0x1] =	wrdreg $0xFFFFFFFF  }
0xc7: {  	_ =	task.clear_ibuf [dreg:s7], $0x2FFFF;
	_ =	strace $0x9FFFFFFF  }
0xc8: {  	(tm) =	ssettm $0x7FFFFFFF  }
0xc9: {  	_ =	shalt  }
tec
execute0_lowered:
.L_overlay_start_1:
0x0: {  	(tag) =	ssettag $0x1  }
0x1: {  	s1 =	srdreg.scid  }
0x2: {  	s3 =	rddreg [dreg:$0x0];
	s0 =	stileid.u32;
	s10 =	sand.u32 $0x1, s1  }
0x3: {  	s9 =	rddreg [dreg:$0x1];
	s4 =	sshll.u32 s0, $0x8;
	s5 =	sshll.u32 s10, $0x7  }
0x4: {  	s2 =	simm.s32 $0x0;
	s1 =	rddreg [dreg:$0x2];
	s8 =	sor.u32 s5, s4  }
0x5: {  	[smem:$0x7FF] =	sst s2;
	s4 =	sshrl.u32 s8, $0x3  }
0x6: {  	_ =	strace $0x80000047;
	s4 =	sadd.s32 s3, s4;
	s3 =	simm.s32 $0x2  }
0x7: {  	[tilespmem:s2], [sflag:$0x2] =	stream.linear.gather [hbm4b:s4+s2], $0x80, $0x38;
	[tilespmem:$0x4080] =	vst v63  }
0x8: {  	_ =	swait.ge [sflag:s3], $0x80  }
0x9: {  	s6 =	simm.s32 $0x80;
	[sflag:s3] =	ssyncset.done $0x0  }
0xa: {  	s7 =	simm.s32 $0x1;
	s5 =	sadd.s32 $0x21400, s9;
	[sflag:s3] =	ssyncadd.s32 $0xFFFFFF80  }
0xb: {  	[tilespmem:s6], [sflag:$0x1] =	stream.indirect.gather [hbm4b:s5+s6], $0x80, s2, s6, $0xb8;
	[tilespmem:$0x4080] =	vst v63  }
0xc: {  	s8 =	sshll.u32 s8, $0x4;
	_ =	swait.ge [sflag:s7], $0x4000  }
0xd: {  	s11 =	sadd.s32 s8, s9;
	[sflag:s7] =	ssyncset.done $0x0  }
0xe: {  	s10 =	ssub.s32 $0x2, s10;
	s8 =	sadd.s32 $0x41400, s11;
	[sflag:s7] =	ssyncadd.s32 $0xFFFFC000  }
0xf: {  	[hbm4b:s8+s2] =	stream.linear.scatter [tilespmem:s6], [sflag:$0x2], $0x4000, $0x38;
	[tilespmem:$0x4080] =	vst v63  }
0x10: {  	s12 =	sshrl.u32 s10, $0x1;
	_ =	swait.ge [sflag:s3], $0x4000  }
0x11: {  	s12 =	ssub.s32 s10, s12;
	[sflag:s3] =	ssyncset.done $0x0  }
0x12: {  	s9 =	sadd.s32 $0x1400, s9;
	s31 =	smax.u32 s12, $0x1;
	[sflag:s3] =	ssyncadd.s32 $0xFFFFC000  }
0x13: {  	[tilespmem:s6], [sflag:$0x1] =	stream.indirect.gather [hbm4b:s9+s6], $0x80, s2, s6, $0xb8;
	[tilespmem:$0x4080] =	vst v63  }
0x14: {  	p0 =	sne.s32 s31, $0x1;
	_ =	swait.ge [sflag:s7], $0x4000  }
.Ltmp0:
0x15: {  	[sflag:s7] =	ssyncset.done $0x0;
	(pc) =	sbr.rel @!p0 .LBB2_2-.Ltmp0, $4  }
0x16: {  	s10 =	sadd.s32 $0x51400, s11;
	[sflag:s7] =	ssyncadd.s32 $0xFFFFC000  }
0x17: {  	[hbm4b:s10+s2] =	stream.linear.scatter [tilespmem:s6], [sflag:$0x2], $0x4000, $0x38;
	[tilespmem:$0x4080] =	vst v63  }
0x18: {  	_ =	swait.ge [sflag:s3], $0x4000  }
0x19: {  	s11 =	sadd.s32 $0xFFFFFFFF, s31;
	[sflag:s3] =	ssyncset.done $0x0  }
.LBB2_1:
0x1a: {  	p0 =	sne.s32 s11, $0x1;
	s11 =	sadd.s32 $0xFFFFFFFF, s11;
	[sflag:s3] =	ssyncadd.s32 $0xFFFFC000  }
0x1b: {  	[tilespmem:s2], [sflag:$0x2] =	stream.linear.gather [hbm4b:s4+s2], $0x80, $0x38;
	[tilespmem:$0x4080] =	vst v63  }
0x1c: {  	_ =	swait.ge [sflag:s3], $0x80  }
0x1d: {  	[sflag:s3] =	ssyncset.done $0x0  }
0x1e: {  	[sflag:s3] =	ssyncadd.s32 $0xFFFFFF80  }
0x1f: {  	[tilespmem:s6], [sflag:$0x1] =	stream.indirect.gather [hbm4b:s5+s6], $0x80, s2, s6, $0xb8;
	[tilespmem:$0x4080] =	vst v63  }
0x20: {  	_ =	swait.ge [sflag:s7], $0x4000  }
0x21: {  	[sflag:s7] =	ssyncset.done $0x0  }
0x22: {  	[sflag:s7] =	ssyncadd.s32 $0xFFFFC000  }
0x23: {  	[hbm4b:s8+s2] =	stream.linear.scatter [tilespmem:s6], [sflag:$0x2], $0x4000, $0x38;
	[tilespmem:$0x4080] =	vst v63  }
0x24: {  	_ =	swait.ge [sflag:s3], $0x4000  }
0x25: {  	[sflag:s3] =	ssyncset.done $0x0  }
0x26: {  	[sflag:s3] =	ssyncadd.s32 $0xFFFFC000  }
0x27: {  	[tilespmem:s6], [sflag:$0x1] =	stream.indirect.gather [hbm4b:s9+s6], $0x80, s2, s6, $0xb8;
	[tilespmem:$0x4080] =	vst v63  }
0x28: {  	_ =	swait.ge [sflag:s7], $0x4000  }
.Ltmp1:
0x29: {  	[sflag:s7] =	ssyncset.done $0x0;
	(pc) =	sbr.rel @p0 .LBB2_1-.Ltmp1, $4  }
0x2a: {  	[sflag:s7] =	ssyncadd.s32 $0xFFFFC000  }
0x2b: {  	[hbm4b:s10+s2] =	stream.linear.scatter [tilespmem:s6], [sflag:$0x2], $0x4000, $0x38;
	[tilespmem:$0x4080] =	vst v63  }
0x2c: {  	_ =	swait.ge [sflag:s3], $0x4000  }
0x2d: {  	[sflag:s3] =	ssyncset.done $0x0  }
.LBB2_2:
0x2e: {  	[sflag:s3] =	ssyncadd.s32 $0xFFFFC000  }
0x2f: {  	_ =	sfence.sel $0x180000  }
0x30: {  	[bflag:$0x0] =	sbarrier.arrive $0xFFFF  }
0x31: {  	p0 =	sne.s32 s0, $0x0;
	_ =	strace $0x90000047  }
0x32: {  	s0 =	sadd.s32 @!p0 $0x100000, s1;
	[bflag:$0x2] =	sbarrier.arrive $0xFFFF  }
0x33: {  	[sflag:s0] =	ssyncadd.tile.s32 @!p0 $0x1;
	_ =	shalt  }
.Lfunc_end2:
_tile_overlayer_lowered:
.L_overlay_start_2:
0x34: {  	(tag) =	ssettag $0x2  }
0x35: {  	s0 =	rddreg [dreg:$0x0];
	s2 =	stileid.u32  }
0x36: {  	s1 =	rddreg [dreg:$0x1];
	p0 =	sne.s32 s2, $0x0  }
0x37: {  	s3 =	rddreg [dreg:$0x2];
	[bflag:$0x3] =	sbarrier.arrive $0xFFFF;
	s2 =	simm.s32 @!p0 $0x1C02  }
0x38: {  	[timem:s3], [sflag:s2] =	dma.local @!p0 [hbm:s0], s1  }
0x39: {  	s0 =	simm.s32 @!p0 $0x2  }
0x3a: {  	_ =	swait.ge @!p0 [sflag:s0], s1  }
0x3b: {  	s1 =	ssub.s32 @!p0 $0x0, s1;
	[sflag:s0] =	ssyncset.done @!p0 $0x0  }
0x3c: {  	[sflag:s0] =	ssyncadd.s32 @!p0 s1  }
0x3d: {  	[bflag:$0x3] =	sbarrier.arrive $0xFFFF  }
0x3e: {  	_ =	shalt  }

</sc_bundles>
